<compile_context>
chip_gen: v7x
topology: tpu7x:2x2x1
jax: 0.10.2.dev20260603
libtpu: 0.0.44.dev20260713+nightly
codegen_flags: <defaults>
</compile_context>

<pallas_src>
import functools

import jax
import jax.numpy as jnp
from jax import lax
from jax.experimental import pallas as pl
from jax.experimental.pallas import tpu as pltpu
from jax.experimental.pallas import tpu_sc as plsc

_EPS = 1e-5


def _gelu(h):
    return 0.5 * h * (1.0 + lax.erf(h * 0.7071067811865476))


def _ln(h, g, b):
    mu = jnp.mean(h, axis=-1, keepdims=True)
    var = jnp.mean((h - mu) ** 2, axis=-1, keepdims=True)
    return (h - mu) / jnp.sqrt(var + _EPS) * g + b


def _encode_body(x_ref, w1_ref, b1_ref, g1_ref, be1_ref, w2_ref, b2_ref,
                 cbt_ref, idx_ref, commit_ref, counts_ref):
    i = pl.program_id(0)
    nb = x_ref.shape[0]
    k = cbt_ref.shape[1]
    l = cbt_ref.shape[0]
    h = jnp.dot(x_ref[...], w1_ref[...], preferred_element_type=jnp.float32) + b1_ref[...]
    h = _ln(h, g1_ref[...], be1_ref[...])
    h = _gelu(h)
    z = jnp.dot(h, w2_ref[...], preferred_element_type=jnp.float32) + b2_ref[...]
    cbt = cbt_ref[...]
    csq = jnp.sum(cbt * cbt, axis=0, keepdims=True)
    e = csq - 2.0 * jnp.dot(z, cbt, preferred_element_type=jnp.float32)
    m = jnp.min(e, axis=-1, keepdims=True)
    eq = e == m
    f = eq.astype(jnp.float32)
    iota_k = lax.broadcasted_iota(jnp.int32, (nb, k), 1)
    idx = jnp.min(jnp.where(eq, iota_k, k), axis=-1, keepdims=True)
    idx_ref[...] = idx
    ones_row = jnp.ones((1, nb), jnp.float32)
    cpart = jnp.dot(ones_row, f, preferred_element_type=jnp.float32)
    zsq = jnp.dot(z * z, jnp.ones((l, 1), jnp.float32),
                  preferred_element_type=jnp.float32)
    part = jnp.dot(ones_row, m + zsq, preferred_element_type=jnp.float32)

    @pl.when(i == 0)
    def _():
        commit_ref[0, 0] = 0.0
        counts_ref[...] = jnp.zeros_like(counts_ref)

    commit_ref[0, 0] += part[0, 0]
    counts_ref[...] += cpart


def _decode_body(cb_ref, w3_ref, b3_ref, g2_ref, be2_ref, w4_ref, b4_ref,
                 counts_ref, table_ref, perp_ref, *, n_tokens):
    hq = jnp.dot(cb_ref[...], w3_ref[...], preferred_element_type=jnp.float32) + b3_ref[...]
    hq = _ln(hq, g2_ref[...], be2_ref[...])
    hq = _gelu(hq)
    table_ref[...] = jnp.dot(hq, w4_ref[...], preferred_element_type=jnp.float32) + b4_ref[...]
    p = counts_ref[...] / float(n_tokens)
    ent = -jnp.sum(p * jnp.log(p + 1e-10))
    perp_ref[0, 0] = jnp.exp(ent)


def _make_sc_gather(n, k, dp, n_workers):
    b_per_w = n // n_workers
    groups = b_per_w // 16
    mesh = plsc.VectorSubcoreMesh(core_axis_name="c", subcore_axis_name="s")

    @functools.partial(
        pl.kernel,
        mesh=mesh,
        out_type=jax.ShapeDtypeStruct((n * dp,), jnp.float32),
        scratch_types=[
            pltpu.VMEM((b_per_w,), jnp.int32),
            pltpu.VMEM((k * dp,), jnp.float32),
            pltpu.VMEM((b_per_w * dp,), jnp.float32),
        ],
        compiler_params=pltpu.CompilerParams(
            use_tc_tiling_on_sc=False, needs_layout_passes=False),
    )
    def sc_gather(table_hbm, idx_hbm, out_hbm, idx_v, table_v, rows_v):
        wid = lax.axis_index("s") * 2 + lax.axis_index("c")
        base = wid * b_per_w
        pltpu.sync_copy(table_hbm, table_v)
        pltpu.sync_copy(idx_hbm.at[pl.ds(base, b_per_w)], idx_v)
        lane16 = lax.iota(jnp.int32, 16) * dp

        def body(g, carry):
            idx16 = idx_v[pl.ds(g * 16, 16)]
            rowbase = idx16 * dp
            outbase = lane16 + g * (16 * dp)
            for c in range(dp):
                vals = plsc.load_gather(table_v, [rowbase + c])
                plsc.store_scatter(rows_v, [outbase + c], vals)
            return carry

        lax.fori_loop(0, groups, body, 0)
        pltpu.sync_copy(rows_v, out_hbm.at[pl.ds(base * dp, b_per_w * dp)])

    return sc_gather


def kernel(x, W1, b1, g1, be1, W2, b2, codebook, W3, b3, g2, be2, W4, b4):
    B, T, D = x.shape
    K, L = codebook.shape
    H = W1.shape[1]
    N = B * T
    NB = 4096
    grid = N // NB
    DP = 16

    xf = x.reshape(N, D)
    cbt = codebook.T

    rep = lambda shape: pl.BlockSpec(shape, lambda i: (0, 0))
    rep0 = lambda shape: pl.BlockSpec(shape, lambda: (0, 0))
    idx_col, commit_sum, counts = pl.pallas_call(
        _encode_body,
        grid=(grid,),
        in_specs=[
            pl.BlockSpec((NB, D), lambda i: (i, 0)),
            rep((D, H)), rep((1, H)), rep((1, H)), rep((1, H)),
            rep((H, L)), rep((1, L)),
            rep((L, K)),
        ],
        out_specs=[
            pl.BlockSpec((NB, 1), lambda i: (i, 0)),
            pl.BlockSpec((1, 1), lambda i: (0, 0), memory_space=pltpu.SMEM),
            pl.BlockSpec((1, K), lambda i: (0, 0)),
        ],
        out_shape=[
            jax.ShapeDtypeStruct((N, 1), jnp.int32),
            jax.ShapeDtypeStruct((1, 1), jnp.float32),
            jax.ShapeDtypeStruct((1, K), jnp.float32),
        ],
        compiler_params=pltpu.CompilerParams(
            dimension_semantics=("arbitrary",),
        ),
    )(xf, W1, b1.reshape(1, H), g1.reshape(1, H), be1.reshape(1, H),
      W2, b2.reshape(1, L), cbt)

    W4p = jnp.pad(W4, ((0, 0), (0, DP - D)))
    b4p = jnp.pad(b4, (0, DP - D)).reshape(1, DP)
    table, perp = pl.pallas_call(
        functools.partial(_decode_body, n_tokens=N),
        in_specs=[
            rep0((K, L)), rep0((L, H)), rep0((1, H)), rep0((1, H)), rep0((1, H)),
            rep0((H, DP)), rep0((1, DP)), rep0((1, K)),
        ],
        out_specs=[
            pl.BlockSpec((K, DP), lambda: (0, 0)),
            pl.BlockSpec((1, 1), lambda: (0, 0), memory_space=pltpu.SMEM),
        ],
        out_shape=[
            jax.ShapeDtypeStruct((K, DP), jnp.float32),
            jax.ShapeDtypeStruct((1, 1), jnp.float32),
        ],
    )(codebook, W3, b3.reshape(1, H), g2.reshape(1, H), be2.reshape(1, H),
      W4p, b4p, counts)

    idx_flat = idx_col.reshape(N)
    out_flat = _make_sc_gather(N, K, DP, 32)(table.reshape(K * DP), idx_flat)

    reconstructed = out_flat.reshape(N, DP)[:, :D].reshape(B, T, D)
    indices = idx_col.reshape(B, T)
    commit_loss = (0.25 / (N * L)) * commit_sum[0, 0]
    perplexity = perp[0, 0]
    return (reconstructed, indices, commit_loss, perplexity)

# --- scband reference (transcript-rebuilt; emitter-appended) ---
"""Pipeline reference for scband-articulatory-vqtokenizer-38096359915595 (READ-ONLY COPY).

The authoritative reference and input builder live on the scoring server;
editing this copy changes nothing except your own understanding.
"""

import jax, jax.numpy as jnp
import numpy as np

EPS = 1e-5

def _layernorm(x, g, b):
    mu = jnp.mean(x, axis=-1, keepdims=True)
    var = jnp.mean((x - mu) ** 2, axis=-1, keepdims=True)
    return (x - mu) / jnp.sqrt(var + EPS) * g + b

def setup_inputs(seed: int = 0) -> dict:
    key = jax.random.key(seed)
    ks = jax.random.split(key, 12)
    B, T, D = 32, 2048, 14
    H, L, K = 128, 64, 512
    x = jax.random.normal(ks[0], (B, T, D), dtype=jnp.float32)
    W1 = jax.random.normal(ks[1], (D, H), dtype=jnp.float32) * (1.0 / np.sqrt(D))
    b1 = jnp.zeros((H,), dtype=jnp.float32)
    g1 = jnp.ones((H,), dtype=jnp.float32)
    be1 = jnp.zeros((H,), dtype=jnp.float32)
    W2 = jax.random.normal(ks[2], (H, L), dtype=jnp.float32) * (1.0 / np.sqrt(H))
    b2 = jnp.zeros((L,), dtype=jnp.float32)
    codebook = jax.random.normal(ks[3], (K, L), dtype=jnp.float32)
    W3 = jax.random.normal(ks[4], (L, H), dtype=jnp.float32) * (1.0 / np.sqrt(L))
    b3 = jnp.zeros((H,), dtype=jnp.float32)
    g2 = jnp.ones((H,), dtype=jnp.float32)
    be2 = jnp.zeros((H,), dtype=jnp.float32)
    W4 = jax.random.normal(ks[5], (H, D), dtype=jnp.float32) * (1.0 / np.sqrt(H))
    b4 = jnp.zeros((D,), dtype=jnp.float32)
    return {"x": x, "W1": W1, "b1": b1, "g1": g1, "be1": be1, "W2": W2, "b2": b2,
            "codebook": codebook, "W3": W3, "b3": b3, "g2": g2, "be2": be2, "W4": W4, "b4": b4}

def reference(x, W1, b1, g1, be1, W2, b2, codebook, W3, b3, g2, be2, W4, b4):
    B, T, D = x.shape
    K = codebook.shape[0]
    # encoder: Linear -> LayerNorm -> GELU -> Linear
    h = x @ W1 + b1
    h = _layernorm(h, g1, be1)
    h = jax.nn.gelu(h, approximate=False)
    z = h @ W2 + b2  # (B, T, L)
    # vector quantize: nearest codebook entry by L2 distance
    zf = z.reshape(-1, z.shape[-1])  # (N, L)
    d = (jnp.sum(zf ** 2, axis=-1, keepdims=True)
         - 2.0 * zf @ codebook.T
         + jnp.sum(codebook ** 2, axis=-1)[None, :])  # (N, K)
    indices_flat = jnp.argmin(d, axis=-1)  # (N,)
    q = jnp.take(codebook, indices_flat, axis=0).reshape(z.shape)
    commit_loss = 0.25 * jnp.mean((jax.lax.stop_gradient(q) - z) ** 2)
    quantized = z + jax.lax.stop_gradient(q - z)  # straight-through
    indices = indices_flat.reshape(B, T)
    # decoder: Linear -> LayerNorm -> GELU -> Linear
    h2 = quantized @ W3 + b3
    h2 = _layernorm(h2, g2, be2)
    h2 = jax.nn.gelu(h2, approximate=False)
    reconstructed = h2 @ W4 + b4  # (B, T, D)
    # perplexity via one-hot scatter (bincount)
    counts = jnp.bincount(indices_flat, length=K)
    avg_probs = counts.astype(jnp.float32) / (B * T)
    perplexity = jnp.exp(-jnp.sum(avg_probs * jnp.log(avg_probs + 1e-10)))
    return (reconstructed, indices, commit_loss, perplexity)

if __name__ == "__main__":
    import jax
    _d = setup_inputs()
    print(jax.jit(kernel)(*tuple(_d.values())))

</pallas_src>

<mosaic_0001>
#map = affine_map<(d0, d1) -> (0)>
module attributes {stable_mosaic.version = 14 : i64} {
  func.func @sc_gather(%arg0: i32, %arg1: i32, %arg2: memref<8192xf32, #tpu.memory_space<hbm>>, %arg3: memref<65536xi32, #tpu.memory_space<hbm>>, %arg4: memref<1048576xf32, #tpu.memory_space<hbm>>, %arg5: memref<2048xi32, #tpu.memory_space<vmem>>, %arg6: memref<8192xf32, #tpu.memory_space<vmem>>, %arg7: memref<32768xf32, #tpu.memory_space<vmem>>) attributes {dimension_semantics = [#tpu.dimension_semantics<core_parallel>, #tpu.dimension_semantics<subcore_parallel>], iteration_bounds = array<i64: 2, 16>, scalar_prefetch = 0 : i64, scratch_operands = 3 : i64, tpu.core_type = #tpu.core_type<sc_vector_subcore>, window_params = [{transform_indices = #map}, {transform_indices = #map}, {transform_indices = #map}]} {
    %mul3A = arith.constant 2 : i32
    %mul3A_0 = arith.muli %arg1, %mul3A : i32
    %add3A = arith.addi %mul3A_0, %arg0 : i32
    %mul3A_1 = arith.constant 2048 : i32
    %mul3A_2 = arith.muli %add3A, %mul3A_1 : i32
    "tpu.region"() ({
      %run_scoped3A = tpu.sem_alloc : memref<!tpu.dma_semaphore, #tpu.memory_space<semaphore_mem>>
      tpu.enqueue_dma source(%arg2 : memref<8192xf32, #tpu.memory_space<hbm>>) target(%arg6 : memref<8192xf32, #tpu.memory_space<vmem>>) target_semaphore(%run_scoped3A : memref<!tpu.dma_semaphore, #tpu.memory_space<semaphore_mem>>)
      tpu.wait_dma2 semaphore(%run_scoped3A : memref<!tpu.dma_semaphore, #tpu.memory_space<semaphore_mem>>) src(%arg2 : memref<8192xf32, #tpu.memory_space<hbm>>) dst(%arg6 : memref<8192xf32, #tpu.memory_space<vmem>>)
      tpu.yield
    }) : () -> ()
    "tpu.region"() ({
      %run_scoped3A = tpu.sem_alloc : memref<!tpu.dma_semaphore, #tpu.memory_space<semaphore_mem>>
      %dma_start3A = tpu.memref_slice %arg3[%mul3A_2] : memref<65536xi32, #tpu.memory_space<hbm>> -> memref<2048xi32, #tpu.memory_space<hbm>>
      %dma_start3A_13 = tpu.memref_slice %arg3[%mul3A_2] : memref<65536xi32, #tpu.memory_space<hbm>> -> memref<2048xi32, #tpu.memory_space<hbm>>
      tpu.enqueue_dma source(%dma_start3A_13 : memref<2048xi32, #tpu.memory_space<hbm>>) target(%arg5 : memref<2048xi32, #tpu.memory_space<vmem>>) target_semaphore(%run_scoped3A : memref<!tpu.dma_semaphore, #tpu.memory_space<semaphore_mem>>)
      %dma_wait3A = tpu.memref_slice %arg3[%mul3A_2] : memref<65536xi32, #tpu.memory_space<hbm>> -> memref<2048xi32, #tpu.memory_space<hbm>>
      %dma_wait3A_14 = tpu.memref_slice %arg3[%mul3A_2] : memref<65536xi32, #tpu.memory_space<hbm>> -> memref<2048xi32, #tpu.memory_space<hbm>>
      tpu.wait_dma2 semaphore(%run_scoped3A : memref<!tpu.dma_semaphore, #tpu.memory_space<semaphore_mem>>) src(%dma_wait3A_14 : memref<2048xi32, #tpu.memory_space<hbm>>) dst(%arg5 : memref<2048xi32, #tpu.memory_space<vmem>>)
      tpu.yield
    }) : () -> ()
    %iota3A = tpu.iota {dimensions = array<i32: 0>} : vector<16xi32>
    %mul3A_3 = arith.constant 16 : i32
    %mul3A_4 = vector.broadcast %mul3A_3 : i32 to vector<16xi32>
    %mul3A_5 = arith.muli %iota3A, %mul3A_4 : vector<16xi32>
    %scan3A = arith.constant 0 : i32
    %scan3A_6 = arith.constant 0 : i32
    %scan3A_7 = arith.constant 128 : i32
    %scan3A_8 = arith.addi %scan3A_6, %scan3A_7 : i32
    %scan3A_9 = arith.constant 1 : i32
    scf.for %scan3A_13 = %scan3A_6 to %scan3A_8 step %scan3A_9  : i32 {
      %mul3A_14 = arith.constant 16 : i32
      %mul3A_15 = arith.muli %scan3A_13, %mul3A_14 : i32
      %get3A = arith.index_cast %mul3A_15 : i32 to index
      %get3A_16 = tpu.vector_load %arg5[%get3A] {strides = array<i32>} : memref<2048xi32, #tpu.memory_space<vmem>>, vector<16xi32>,
      %mul3A_17 = arith.constant 16 : i32
      %mul3A_18 = vector.broadcast %mul3A_17 : i32 to vector<16xi32>
      %mul3A_19 = arith.muli %get3A_16, %mul3A_18 : vector<16xi32>
      %mul3A_20 = arith.constant 256 : i32
      %mul3A_21 = arith.muli %scan3A_13, %mul3A_20 : i32
      %add3A_22 = vector.broadcast %mul3A_21 : i32 to vector<16xi32>
      %add3A_23 = arith.addi %mul3A_5, %add3A_22 : vector<16xi32>
      %add3A_24 = arith.constant 0 : i32
      %add3A_25 = vector.broadcast %add3A_24 : i32 to vector<16xi32>
      %add3A_26 = arith.addi %mul3A_19, %add3A_25 : vector<16xi32>
      %gather3A = tpu.vector_load_idx %arg6[%add3A_26] : memref<8192xf32, #tpu.memory_space<vmem>>[vector<16xi32>], vector<16xf32>,
      %add3A_27 = arith.constant 0 : i32
      %add3A_28 = vector.broadcast %add3A_27 : i32 to vector<16xi32>
      %add3A_29 = arith.addi %add3A_23, %add3A_28 : vector<16xi32>
      tpu.vector_store_idx %arg7[%add3A_29], %gather3A : memref<32768xf32, #tpu.memory_space<vmem>>[vector<16xi32>], vector<16xf32>,
      %add3A_30 = arith.constant 1 : i32
      %add3A_31 = vector.broadcast %add3A_30 : i32 to vector<16xi32>
      %add3A_32 = arith.addi %mul3A_19, %add3A_31 : vector<16xi32>
      %gather3A_33 = tpu.vector_load_idx %arg6[%add3A_32] : memref<8192xf32, #tpu.memory_space<vmem>>[vector<16xi32>], vector<16xf32>,
      %add3A_34 = arith.constant 1 : i32
      %add3A_35 = vector.broadcast %add3A_34 : i32 to vector<16xi32>
      %add3A_36 = arith.addi %add3A_23, %add3A_35 : vector<16xi32>
      tpu.vector_store_idx %arg7[%add3A_36], %gather3A_33 : memref<32768xf32, #tpu.memory_space<vmem>>[vector<16xi32>], vector<16xf32>,
      %add3A_37 = arith.constant 2 : i32
      %add3A_38 = vector.broadcast %add3A_37 : i32 to vector<16xi32>
      %add3A_39 = arith.addi %mul3A_19, %add3A_38 : vector<16xi32>
      %gather3A_40 = tpu.vector_load_idx %arg6[%add3A_39] : memref<8192xf32, #tpu.memory_space<vmem>>[vector<16xi32>], vector<16xf32>,
      %add3A_41 = arith.constant 2 : i32
      %add3A_42 = vector.broadcast %add3A_41 : i32 to vector<16xi32>
      %add3A_43 = arith.addi %add3A_23, %add3A_42 : vector<16xi32>
      tpu.vector_store_idx %arg7[%add3A_43], %gather3A_40 : memref<32768xf32, #tpu.memory_space<vmem>>[vector<16xi32>], vector<16xf32>,
      %add3A_44 = arith.constant 3 : i32
      %add3A_45 = vector.broadcast %add3A_44 : i32 to vector<16xi32>
      %add3A_46 = arith.addi %mul3A_19, %add3A_45 : vector<16xi32>
      %gather3A_47 = tpu.vector_load_idx %arg6[%add3A_46] : memref<8192xf32, #tpu.memory_space<vmem>>[vector<16xi32>], vector<16xf32>,
      %add3A_48 = arith.constant 3 : i32
      %add3A_49 = vector.broadcast %add3A_48 : i32 to vector<16xi32>
      %add3A_50 = arith.addi %add3A_23, %add3A_49 : vector<16xi32>
      tpu.vector_store_idx %arg7[%add3A_50], %gather3A_47 : memref<32768xf32, #tpu.memory_space<vmem>>[vector<16xi32>], vector<16xf32>,
      %add3A_51 = arith.constant 4 : i32
      %add3A_52 = vector.broadcast %add3A_51 : i32 to vector<16xi32>
      %add3A_53 = arith.addi %mul3A_19, %add3A_52 : vector<16xi32>
      %gather3A_54 = tpu.vector_load_idx %arg6[%add3A_53] : memref<8192xf32, #tpu.memory_space<vmem>>[vector<16xi32>], vector<16xf32>,
      %add3A_55 = arith.constant 4 : i32
      %add3A_56 = vector.broadcast %add3A_55 : i32 to vector<16xi32>
      %add3A_57 = arith.addi %add3A_23, %add3A_56 : vector<16xi32>
      tpu.vector_store_idx %arg7[%add3A_57], %gather3A_54 : memref<32768xf32, #tpu.memory_space<vmem>>[vector<16xi32>], vector<16xf32>,
      %add3A_58 = arith.constant 5 : i32
      %add3A_59 = vector.broadcast %add3A_58 : i32 to vector<16xi32>
      %add3A_60 = arith.addi %mul3A_19, %add3A_59 : vector<16xi32>
      %gather3A_61 = tpu.vector_load_idx %arg6[%add3A_60] : memref<8192xf32, #tpu.memory_space<vmem>>[vector<16xi32>], vector<16xf32>,
      %add3A_62 = arith.constant 5 : i32
      %add3A_63 = vector.broadcast %add3A_62 : i32 to vector<16xi32>
      %add3A_64 = arith.addi %add3A_23, %add3A_63 : vector<16xi32>
      tpu.vector_store_idx %arg7[%add3A_64], %gather3A_61 : memref<32768xf32, #tpu.memory_space<vmem>>[vector<16xi32>], vector<16xf32>,
      %add3A_65 = arith.constant 6 : i32
      %add3A_66 = vector.broadcast %add3A_65 : i32 to vector<16xi32>
      %add3A_67 = arith.addi %mul3A_19, %add3A_66 : vector<16xi32>
      %gather3A_68 = tpu.vector_load_idx %arg6[%add3A_67] : memref<8192xf32, #tpu.memory_space<vmem>>[vector<16xi32>], vector<16xf32>,
      %add3A_69 = arith.constant 6 : i32
      %add3A_70 = vector.broadcast %add3A_69 : i32 to vector<16xi32>
      %add3A_71 = arith.addi %add3A_23, %add3A_70 : vector<16xi32>
      tpu.vector_store_idx %arg7[%add3A_71], %gather3A_68 : memref<32768xf32, #tpu.memory_space<vmem>>[vector<16xi32>], vector<16xf32>,
      %add3A_72 = arith.constant 7 : i32
      %add3A_73 = vector.broadcast %add3A_72 : i32 to vector<16xi32>
      %add3A_74 = arith.addi %mul3A_19, %add3A_73 : vector<16xi32>
      %gather3A_75 = tpu.vector_load_idx %arg6[%add3A_74] : memref<8192xf32, #tpu.memory_space<vmem>>[vector<16xi32>], vector<16xf32>,
      %add3A_76 = arith.constant 7 : i32
      %add3A_77 = vector.broadcast %add3A_76 : i32 to vector<16xi32>
      %add3A_78 = arith.addi %add3A_23, %add3A_77 : vector<16xi32>
      tpu.vector_store_idx %arg7[%add3A_78], %gather3A_75 : memref<32768xf32, #tpu.memory_space<vmem>>[vector<16xi32>], vector<16xf32>,
      %add3A_79 = arith.constant 8 : i32
      %add3A_80 = vector.broadcast %add3A_79 : i32 to vector<16xi32>
      %add3A_81 = arith.addi %mul3A_19, %add3A_80 : vector<16xi32>
      %gather3A_82 = tpu.vector_load_idx %arg6[%add3A_81] : memref<8192xf32, #tpu.memory_space<vmem>>[vector<16xi32>], vector<16xf32>,
      %add3A_83 = arith.constant 8 : i32
      %add3A_84 = vector.broadcast %add3A_83 : i32 to vector<16xi32>
      %add3A_85 = arith.addi %add3A_23, %add3A_84 : vector<16xi32>
      tpu.vector_store_idx %arg7[%add3A_85], %gather3A_82 : memref<32768xf32, #tpu.memory_space<vmem>>[vector<16xi32>], vector<16xf32>,
      %add3A_86 = arith.constant 9 : i32
      %add3A_87 = vector.broadcast %add3A_86 : i32 to vector<16xi32>
      %add3A_88 = arith.addi %mul3A_19, %add3A_87 : vector<16xi32>
      %gather3A_89 = tpu.vector_load_idx %arg6[%add3A_88] : memref<8192xf32, #tpu.memory_space<vmem>>[vector<16xi32>], vector<16xf32>,
      %add3A_90 = arith.constant 9 : i32
      %add3A_91 = vector.broadcast %add3A_90 : i32 to vector<16xi32>
      %add3A_92 = arith.addi %add3A_23, %add3A_91 : vector<16xi32>
      tpu.vector_store_idx %arg7[%add3A_92], %gather3A_89 : memref<32768xf32, #tpu.memory_space<vmem>>[vector<16xi32>], vector<16xf32>,
      %add3A_93 = arith.constant 10 : i32
      %add3A_94 = vector.broadcast %add3A_93 : i32 to vector<16xi32>
      %add3A_95 = arith.addi %mul3A_19, %add3A_94 : vector<16xi32>
      %gather3A_96 = tpu.vector_load_idx %arg6[%add3A_95] : memref<8192xf32, #tpu.memory_space<vmem>>[vector<16xi32>], vector<16xf32>,
      %add3A_97 = arith.constant 10 : i32
      %add3A_98 = vector.broadcast %add3A_97 : i32 to vector<16xi32>
      %add3A_99 = arith.addi %add3A_23, %add3A_98 : vector<16xi32>
      tpu.vector_store_idx %arg7[%add3A_99], %gather3A_96 : memref<32768xf32, #tpu.memory_space<vmem>>[vector<16xi32>], vector<16xf32>,
      %add3A_100 = arith.constant 11 : i32
      %add3A_101 = vector.broadcast %add3A_100 : i32 to vector<16xi32>
      %add3A_102 = arith.addi %mul3A_19, %add3A_101 : vector<16xi32>
      %gather3A_103 = tpu.vector_load_idx %arg6[%add3A_102] : memref<8192xf32, #tpu.memory_space<vmem>>[vector<16xi32>], vector<16xf32>,
      %add3A_104 = arith.constant 11 : i32
      %add3A_105 = vector.broadcast %add3A_104 : i32 to vector<16xi32>
      %add3A_106 = arith.addi %add3A_23, %add3A_105 : vector<16xi32>
      tpu.vector_store_idx %arg7[%add3A_106], %gather3A_103 : memref<32768xf32, #tpu.memory_space<vmem>>[vector<16xi32>], vector<16xf32>,
      %add3A_107 = arith.constant 12 : i32
      %add3A_108 = vector.broadcast %add3A_107 : i32 to vector<16xi32>
      %add3A_109 = arith.addi %mul3A_19, %add3A_108 : vector<16xi32>
      %gather3A_110 = tpu.vector_load_idx %arg6[%add3A_109] : memref<8192xf32, #tpu.memory_space<vmem>>[vector<16xi32>], vector<16xf32>,
      %add3A_111 = arith.constant 12 : i32
      %add3A_112 = vector.broadcast %add3A_111 : i32 to vector<16xi32>
      %add3A_113 = arith.addi %add3A_23, %add3A_112 : vector<16xi32>
      tpu.vector_store_idx %arg7[%add3A_113], %gather3A_110 : memref<32768xf32, #tpu.memory_space<vmem>>[vector<16xi32>], vector<16xf32>,
      %add3A_114 = arith.constant 13 : i32
      %add3A_115 = vector.broadcast %add3A_114 : i32 to vector<16xi32>
      %add3A_116 = arith.addi %mul3A_19, %add3A_115 : vector<16xi32>
      %gather3A_117 = tpu.vector_load_idx %arg6[%add3A_116] : memref<8192xf32, #tpu.memory_space<vmem>>[vector<16xi32>], vector<16xf32>,
      %add3A_118 = arith.constant 13 : i32
      %add3A_119 = vector.broadcast %add3A_118 : i32 to vector<16xi32>
      %add3A_120 = arith.addi %add3A_23, %add3A_119 : vector<16xi32>
      tpu.vector_store_idx %arg7[%add3A_120], %gather3A_117 : memref<32768xf32, #tpu.memory_space<vmem>>[vector<16xi32>], vector<16xf32>,
      %add3A_121 = arith.constant 14 : i32
      %add3A_122 = vector.broadcast %add3A_121 : i32 to vector<16xi32>
      %add3A_123 = arith.addi %mul3A_19, %add3A_122 : vector<16xi32>
      %gather3A_124 = tpu.vector_load_idx %arg6[%add3A_123] : memref<8192xf32, #tpu.memory_space<vmem>>[vector<16xi32>], vector<16xf32>,
      %add3A_125 = arith.constant 14 : i32
      %add3A_126 = vector.broadcast %add3A_125 : i32 to vector<16xi32>
      %add3A_127 = arith.addi %add3A_23, %add3A_126 : vector<16xi32>
      tpu.vector_store_idx %arg7[%add3A_127], %gather3A_124 : memref<32768xf32, #tpu.memory_space<vmem>>[vector<16xi32>], vector<16xf32>,
      %add3A_128 = arith.constant 15 : i32
      %add3A_129 = vector.broadcast %add3A_128 : i32 to vector<16xi32>
      %add3A_130 = arith.addi %mul3A_19, %add3A_129 : vector<16xi32>
      %gather3A_131 = tpu.vector_load_idx %arg6[%add3A_130] : memref<8192xf32, #tpu.memory_space<vmem>>[vector<16xi32>], vector<16xf32>,
      %add3A_132 = arith.constant 15 : i32
      %add3A_133 = vector.broadcast %add3A_132 : i32 to vector<16xi32>
      %add3A_134 = arith.addi %add3A_23, %add3A_133 : vector<16xi32>
      tpu.vector_store_idx %arg7[%add3A_134], %gather3A_131 : memref<32768xf32, #tpu.memory_space<vmem>>[vector<16xi32>], vector<16xf32>,
    }
    %scan3A_10 = arith.constant 128 : i32
    %mul3A_11 = arith.constant 16 : i32
    %mul3A_12 = arith.muli %mul3A_2, %mul3A_11 : i32
    "tpu.region"() ({
      %run_scoped3A = tpu.sem_alloc : memref<!tpu.dma_semaphore, #tpu.memory_space<semaphore_mem>>
      %dma_start3A = tpu.memref_slice %arg4[%mul3A_12] : memref<1048576xf32, #tpu.memory_space<hbm>> -> memref<32768xf32, #tpu.memory_space<hbm>>
      %dma_start3A_13 = tpu.memref_slice %arg4[%mul3A_12] : memref<1048576xf32, #tpu.memory_space<hbm>> -> memref<32768xf32, #tpu.memory_space<hbm>>
      tpu.enqueue_dma source(%arg7 : memref<32768xf32, #tpu.memory_space<vmem>>) target(%dma_start3A_13 : memref<32768xf32, #tpu.memory_space<hbm>>) target_semaphore(%run_scoped3A : memref<!tpu.dma_semaphore, #tpu.memory_space<semaphore_mem>>)
      %dma_wait3A = tpu.memref_slice %arg4[%mul3A_12] : memref<1048576xf32, #tpu.memory_space<hbm>> -> memref<32768xf32, #tpu.memory_space<hbm>>
      %dma_wait3A_14 = tpu.memref_slice %arg4[%mul3A_12] : memref<1048576xf32, #tpu.memory_space<hbm>> -> memref<32768xf32, #tpu.memory_space<hbm>>
      tpu.wait_dma2 semaphore(%run_scoped3A : memref<!tpu.dma_semaphore, #tpu.memory_space<semaphore_mem>>) src(%arg7 : memref<32768xf32, #tpu.memory_space<vmem>>) dst(%dma_wait3A_14 : memref<32768xf32, #tpu.memory_space<hbm>>)
      tpu.yield
    }) : () -> ()
    return
  }
}

module attributes {stable_mosaic.version = 14 : i64} {
  func.func @_decode_body(%arg0: memref<512x64xf32, #tpu.memory_space<vmem>>, %arg1: memref<64x128xf32, #tpu.memory_space<vmem>>, %arg2: memref<1x128xf32, #tpu.memory_space<vmem>>, %arg3: memref<1x128xf32, #tpu.memory_space<vmem>>, %arg4: memref<1x128xf32, #tpu.memory_space<vmem>>, %arg5: memref<128x16xf32, #tpu.memory_space<vmem>>, %arg6: memref<1x16xf32, #tpu.memory_space<vmem>>, %arg7: memref<1x512xf32, #tpu.memory_space<vmem>>, %arg8: memref<512x16xf32, #tpu.memory_space<vmem>>, %arg9: memref<1x1xf32, #tpu.memory_space<smem>>) attributes {dimension_semantics = [], scalar_prefetch = 0 : i64, scratch_operands = 0 : i64, tpu.core_type = #tpu.core_type<tc>} {
    %get3A = arith.constant 0 : index
    %get3A_0 = arith.constant 0 : index
    %get3A_1 = vector.load %arg0[%get3A, %get3A_0] : memref<512x64xf32, #tpu.memory_space<vmem>>, vector<512x64xf32>
    %get3A_2 = arith.constant 0 : index
    %get3A_3 = arith.constant 0 : index
    %get3A_4 = vector.load %arg1[%get3A_2, %get3A_3] : memref<64x128xf32, #tpu.memory_space<vmem>>, vector<64x128xf32>
    %dot_general3A = arith.constant dense<0.000000e+00> : vector<512x128xf32>
    %dot_general3A_5 = tpu.matmul %get3A_1, %get3A_4, %dot_general3A {dimension_numbers = #tpu.dot_dimension_numbers<[1], [0], [0], [1], [0, 0, 1, 1], [], []>, transpose_lhs_hint = false} : vector<512x64xf32>, vector<64x128xf32>, vector<512x128xf32> -> vector<512x128xf32>
    %get3A_6 = arith.constant 0 : index
    %get3A_7 = arith.constant 0 : index
    %get3A_8 = vector.load %arg2[%get3A_6, %get3A_7] : memref<1x128xf32, #tpu.memory_space<vmem>>, vector<1x128xf32>
    %add3A = vector.broadcast %get3A_8 : vector<1x128xf32> to vector<512x128xf32>
    %add3A_9 = arith.addf %dot_general3A_5, %add3A : vector<512x128xf32>
    %get3A_10 = arith.constant 0 : index
    %get3A_11 = arith.constant 0 : index
    %get3A_12 = vector.load %arg3[%get3A_10, %get3A_11] : memref<1x128xf32, #tpu.memory_space<vmem>>, vector<1x128xf32>
    %get3A_13 = arith.constant 0 : index
    %get3A_14 = arith.constant 0 : index
    %get3A_15 = vector.load %arg4[%get3A_13, %get3A_14] : memref<1x128xf32, #tpu.memory_space<vmem>>, vector<1x128xf32>
    %reduce_sum3A = arith.constant dense<0.000000e+00> : vector<512xf32>
    %reduce_sum3A_16 = vector.multi_reduction <add>, %add3A_9, %reduce_sum3A [1] : vector<512x128xf32> to vector<512xf32>
    %broadcast_in_dim3A = vector.shape_cast %reduce_sum3A_16 : vector<512xf32> to vector<512x1xf32>
    %div3A = arith.constant 1.280000e+02 : f32
    %div3A_17 = vector.broadcast %div3A : f32 to vector<512x1xf32>
    %div3A_18 = arith.divf %broadcast_in_dim3A, %div3A_17 : vector<512x1xf32>
    %sub3A = vector.broadcast %div3A_18 : vector<512x1xf32> to vector<512x128xf32>
    %sub3A_19 = arith.subf %add3A_9, %sub3A : vector<512x128xf32>
    %integer_pow3A = arith.mulf %sub3A_19, %sub3A_19 : vector<512x128xf32>
    %reduce_sum3A_20 = arith.constant dense<0.000000e+00> : vector<512xf32>
    %reduce_sum3A_21 = vector.multi_reduction <add>, %integer_pow3A, %reduce_sum3A_20 [1] : vector<512x128xf32> to vector<512xf32>
    %broadcast_in_dim3A_22 = vector.shape_cast %reduce_sum3A_21 : vector<512xf32> to vector<512x1xf32>
    %div3A_23 = arith.constant 1.280000e+02 : f32
    %div3A_24 = vector.broadcast %div3A_23 : f32 to vector<512x1xf32>
    %div3A_25 = arith.divf %broadcast_in_dim3A_22, %div3A_24 : vector<512x1xf32>
    %sub3A_26 = vector.broadcast %div3A_18 : vector<512x1xf32> to vector<512x128xf32>
    %sub3A_27 = arith.subf %add3A_9, %sub3A_26 : vector<512x128xf32>
    %add3A_28 = arith.constant 9.99999974E-6 : f32
    %add3A_29 = vector.broadcast %add3A_28 : f32 to vector<512x1xf32>
    %add3A_30 = arith.addf %div3A_25, %add3A_29 : vector<512x1xf32>
    %sqrt3A = math.sqrt %add3A_30 : vector<512x1xf32>
    %div3A_31 = vector.broadcast %sqrt3A : vector<512x1xf32> to vector<512x128xf32>
    %div3A_32 = arith.divf %sub3A_27, %div3A_31 : vector<512x128xf32>
    %mul3A = vector.broadcast %get3A_12 : vector<1x128xf32> to vector<512x128xf32>
    %mul3A_33 = arith.mulf %div3A_32, %mul3A : vector<512x128xf32>
    %add3A_34 = vector.broadcast %get3A_15 : vector<1x128xf32> to vector<512x128xf32>
    %add3A_35 = arith.addf %mul3A_33, %add3A_34 : vector<512x128xf32>
    %mul3A_36 = arith.constant 5.000000e-01 : f32
    %mul3A_37 = vector.broadcast %mul3A_36 : f32 to vector<512x128xf32>
    %mul3A_38 = arith.mulf %mul3A_37, %add3A_35 : vector<512x128xf32>
    %mul3A_39 = arith.constant 0.707106769 : f32
    %mul3A_40 = vector.broadcast %mul3A_39 : f32 to vector<512x128xf32>
    %mul3A_41 = arith.mulf %add3A_35, %mul3A_40 : vector<512x128xf32>
    %erf3A = math.erf %mul3A_41 : vector<512x128xf32>
    %add3A_42 = arith.constant 1.000000e+00 : f32
    %add3A_43 = vector.broadcast %add3A_42 : f32 to vector<512x128xf32>
    %add3A_44 = arith.addf %add3A_43, %erf3A : vector<512x128xf32>
    %mul3A_45 = arith.mulf %mul3A_38, %add3A_44 : vector<512x128xf32>
    %get3A_46 = arith.constant 0 : index
    %get3A_47 = arith.constant 0 : index
    %get3A_48 = vector.load %arg5[%get3A_46, %get3A_47] : memref<128x16xf32, #tpu.memory_space<vmem>>, vector<128x16xf32>
    %dot_general3A_49 = arith.constant dense<0.000000e+00> : vector<512x16xf32>
    %dot_general3A_50 = tpu.matmul %mul3A_45, %get3A_48, %dot_general3A_49 {dimension_numbers = #tpu.dot_dimension_numbers<[1], [0], [0], [1], [0, 0, 1, 1], [], []>, transpose_lhs_hint = false} : vector<512x128xf32>, vector<128x16xf32>, vector<512x16xf32> -> vector<512x16xf32>
    %get3A_51 = arith.constant 0 : index
    %get3A_52 = arith.constant 0 : index
    %get3A_53 = vector.load %arg6[%get3A_51, %get3A_52] : memref<1x16xf32, #tpu.memory_space<vmem>>, vector<1x16xf32>
    %add3A_54 = vector.broadcast %get3A_53 : vector<1x16xf32> to vector<512x16xf32>
    %add3A_55 = arith.addf %dot_general3A_50, %add3A_54 : vector<512x16xf32>
    %swap3A = arith.constant 0 : index
    %swap3A_56 = arith.constant 0 : index
    %swap3A_57 = vector.load %arg8[%swap3A, %swap3A_56] : memref<512x16xf32, #tpu.memory_space<vmem>>, vector<512x16xf32>
    tpu.vector_store %arg8[%swap3A, %swap3A_56], %add3A_55 {strides = array<i32>} : memref<512x16xf32, #tpu.memory_space<vmem>>, vector<512x16xf32>,
    %get3A_58 = arith.constant 0 : index
    %get3A_59 = arith.constant 0 : index
    %get3A_60 = vector.load %arg7[%get3A_58, %get3A_59] : memref<1x512xf32, #tpu.memory_space<vmem>>, vector<1x512xf32>
    %div3A_61 = arith.constant 6.553600e+04 : f32
    %div3A_62 = vector.broadcast %div3A_61 : f32 to vector<1x512xf32>
    %div3A_63 = arith.divf %get3A_60, %div3A_62 : vector<1x512xf32>
    %add3A_64 = arith.constant 1.000000e-10 : f32
    %add3A_65 = vector.broadcast %add3A_64 : f32 to vector<1x512xf32>
    %add3A_66 = arith.addf %div3A_63, %add3A_65 : vector<1x512xf32>
    %log3A = math.log %add3A_66 : vector<1x512xf32>
    %mul3A_67 = arith.mulf %div3A_63, %log3A : vector<1x512xf32>
    %reduce_sum3A_68 = vector.shape_cast %mul3A_67 : vector<1x512xf32> to vector<1x1x512xf32>
    %reduce_sum3A_69 = arith.constant dense<0.000000e+00> : vector<1xf32>
    %reduce_sum3A_70 = vector.multi_reduction <add>, %reduce_sum3A_68, %reduce_sum3A_69 [1, 2] : vector<1x1x512xf32> to vector<1xf32>
    %reduce_sum3A_71 = vector.shape_cast %reduce_sum3A_70 : vector<1xf32> to vector<1x1x1xf32>
    %reduce_sum3A_72 = vector.extract %reduce_sum3A_71[0, 0, 0] : f32 from vector<1x1x1xf32>
    %neg3A = arith.constant 0.000000e+00 : f32
    %neg3A_73 = arith.subf %neg3A, %reduce_sum3A_72 : f32
    %exp3A = math.exp %neg3A_73 : f32
    %swap3A_74 = arith.constant 0 : index
    %swap3A_75 = arith.constant 0 : index
    %swap3A_76 = memref.load %arg9[%swap3A_74, %swap3A_75] : memref<1x1xf32, #tpu.memory_space<smem>>
    memref.store %exp3A, %arg9[%swap3A_74, %swap3A_75] : memref<1x1xf32, #tpu.memory_space<smem>>
    return
  }
}

module attributes {stable_mosaic.version = 14 : i64} {
  func.func @_encode_body(%arg0: i32, %arg1: memref<4096x14xf32, #tpu.memory_space<vmem>>, %arg2: memref<14x128xf32, #tpu.memory_space<vmem>>, %arg3: memref<1x128xf32, #tpu.memory_space<vmem>>, %arg4: memref<1x128xf32, #tpu.memory_space<vmem>>, %arg5: memref<1x128xf32, #tpu.memory_space<vmem>>, %arg6: memref<128x64xf32, #tpu.memory_space<vmem>>, %arg7: memref<1x64xf32, #tpu.memory_space<vmem>>, %arg8: memref<64x512xf32, #tpu.memory_space<vmem>>, %arg9: memref<4096x1xi32, #tpu.memory_space<vmem>>, %arg10: memref<1x1xf32, #tpu.memory_space<smem>>, %arg11: memref<1x512xf32, #tpu.memory_space<vmem>>) attributes {dimension_semantics = [#tpu.dimension_semantics<arbitrary>], iteration_bounds = array<i64: 16>, scalar_prefetch = 0 : i64, scratch_operands = 0 : i64, tpu.core_type = #tpu.core_type<tc>, window_params = [{transform_indices = @transform_0, window_bounds = array<i64: 4096, 14>}, {pipeline_mode = #tpu.pipeline_mode<synchronous>, transform_indices = @transform_1, window_bounds = array<i64: 14, 128>}, {pipeline_mode = #tpu.pipeline_mode<synchronous>, transform_indices = @transform_2, window_bounds = array<i64: 1, 128>}, {pipeline_mode = #tpu.pipeline_mode<synchronous>, transform_indices = @transform_3, window_bounds = array<i64: 1, 128>}, {pipeline_mode = #tpu.pipeline_mode<synchronous>, transform_indices = @transform_4, window_bounds = array<i64: 1, 128>}, {pipeline_mode = #tpu.pipeline_mode<synchronous>, transform_indices = @transform_5, window_bounds = array<i64: 128, 64>}, {pipeline_mode = #tpu.pipeline_mode<synchronous>, transform_indices = @transform_6, window_bounds = array<i64: 1, 64>}, {pipeline_mode = #tpu.pipeline_mode<synchronous>, transform_indices = @transform_7, window_bounds = array<i64: 64, 512>}, {transform_indices = @transform_8, window_bounds = array<i64: 4096, 1>}, {transform_indices = @transform_9, window_bounds = array<i64: 1, 1>}, {pipeline_mode = #tpu.pipeline_mode<synchronous>, transform_indices = @transform_10, window_bounds = array<i64: 1, 512>}]} {
    %get3A = arith.constant 0 : index
    %get3A_0 = arith.constant 0 : index
    %get3A_1 = vector.load %arg1[%get3A, %get3A_0] : memref<4096x14xf32, #tpu.memory_space<vmem>>, vector<4096x14xf32>
    %get3A_2 = arith.constant 0 : index
    %get3A_3 = arith.constant 0 : index
    %get3A_4 = vector.load %arg2[%get3A_2, %get3A_3] : memref<14x128xf32, #tpu.memory_space<vmem>>, vector<14x128xf32>
    %dot_general3A = arith.constant dense<0.000000e+00> : vector<4096x128xf32>
    %dot_general3A_5 = tpu.matmul %get3A_1, %get3A_4, %dot_general3A {dimension_numbers = #tpu.dot_dimension_numbers<[1], [0], [0], [1], [0, 0, 1, 1], [], []>, transpose_lhs_hint = false} : vector<4096x14xf32>, vector<14x128xf32>, vector<4096x128xf32> -> vector<4096x128xf32>
    %get3A_6 = arith.constant 0 : index
    %get3A_7 = arith.constant 0 : index
    %get3A_8 = vector.load %arg3[%get3A_6, %get3A_7] : memref<1x128xf32, #tpu.memory_space<vmem>>, vector<1x128xf32>
    %add3A = vector.broadcast %get3A_8 : vector<1x128xf32> to vector<4096x128xf32>
    %add3A_9 = arith.addf %dot_general3A_5, %add3A : vector<4096x128xf32>
    %get3A_10 = arith.constant 0 : index
    %get3A_11 = arith.constant 0 : index
    %get3A_12 = vector.load %arg4[%get3A_10, %get3A_11] : memref<1x128xf32, #tpu.memory_space<vmem>>, vector<1x128xf32>
    %get3A_13 = arith.constant 0 : index
    %get3A_14 = arith.constant 0 : index
    %get3A_15 = vector.load %arg5[%get3A_13, %get3A_14] : memref<1x128xf32, #tpu.memory_space<vmem>>, vector<1x128xf32>
    %reduce_sum3A = arith.constant dense<0.000000e+00> : vector<4096xf32>
    %reduce_sum3A_16 = vector.multi_reduction <add>, %add3A_9, %reduce_sum3A [1] : vector<4096x128xf32> to vector<4096xf32>
    %broadcast_in_dim3A = vector.shape_cast %reduce_sum3A_16 : vector<4096xf32> to vector<4096x1xf32>
    %div3A = arith.constant 1.280000e+02 : f32
    %div3A_17 = vector.broadcast %div3A : f32 to vector<4096x1xf32>
    %div3A_18 = arith.divf %broadcast_in_dim3A, %div3A_17 : vector<4096x1xf32>
    %sub3A = vector.broadcast %div3A_18 : vector<4096x1xf32> to vector<4096x128xf32>
    %sub3A_19 = arith.subf %add3A_9, %sub3A : vector<4096x128xf32>
    %integer_pow3A = arith.mulf %sub3A_19, %sub3A_19 : vector<4096x128xf32>
    %reduce_sum3A_20 = arith.constant dense<0.000000e+00> : vector<4096xf32>
    %reduce_sum3A_21 = vector.multi_reduction <add>, %integer_pow3A, %reduce_sum3A_20 [1] : vector<4096x128xf32> to vector<4096xf32>
    %broadcast_in_dim3A_22 = vector.shape_cast %reduce_sum3A_21 : vector<4096xf32> to vector<4096x1xf32>
    %div3A_23 = arith.constant 1.280000e+02 : f32
    %div3A_24 = vector.broadcast %div3A_23 : f32 to vector<4096x1xf32>
    %div3A_25 = arith.divf %broadcast_in_dim3A_22, %div3A_24 : vector<4096x1xf32>
    %sub3A_26 = vector.broadcast %div3A_18 : vector<4096x1xf32> to vector<4096x128xf32>
    %sub3A_27 = arith.subf %add3A_9, %sub3A_26 : vector<4096x128xf32>
    %add3A_28 = arith.constant 9.99999974E-6 : f32
    %add3A_29 = vector.broadcast %add3A_28 : f32 to vector<4096x1xf32>
    %add3A_30 = arith.addf %div3A_25, %add3A_29 : vector<4096x1xf32>
    %sqrt3A = math.sqrt %add3A_30 : vector<4096x1xf32>
    %div3A_31 = vector.broadcast %sqrt3A : vector<4096x1xf32> to vector<4096x128xf32>
    %div3A_32 = arith.divf %sub3A_27, %div3A_31 : vector<4096x128xf32>
    %mul3A = vector.broadcast %get3A_12 : vector<1x128xf32> to vector<4096x128xf32>
    %mul3A_33 = arith.mulf %div3A_32, %mul3A : vector<4096x128xf32>
    %add3A_34 = vector.broadcast %get3A_15 : vector<1x128xf32> to vector<4096x128xf32>
    %add3A_35 = arith.addf %mul3A_33, %add3A_34 : vector<4096x128xf32>
    %mul3A_36 = arith.constant 5.000000e-01 : f32
    %mul3A_37 = vector.broadcast %mul3A_36 : f32 to vector<4096x128xf32>
    %mul3A_38 = arith.mulf %mul3A_37, %add3A_35 : vector<4096x128xf32>
    %mul3A_39 = arith.constant 0.707106769 : f32
    %mul3A_40 = vector.broadcast %mul3A_39 : f32 to vector<4096x128xf32>
    %mul3A_41 = arith.mulf %add3A_35, %mul3A_40 : vector<4096x128xf32>
    %erf3A = math.erf %mul3A_41 : vector<4096x128xf32>
    %add3A_42 = arith.constant 1.000000e+00 : f32
    %add3A_43 = vector.broadcast %add3A_42 : f32 to vector<4096x128xf32>
    %add3A_44 = arith.addf %add3A_43, %erf3A : vector<4096x128xf32>
    %mul3A_45 = arith.mulf %mul3A_38, %add3A_44 : vector<4096x128xf32>
    %get3A_46 = arith.constant 0 : index
    %get3A_47 = arith.constant 0 : index
    %get3A_48 = vector.load %arg6[%get3A_46, %get3A_47] : memref<128x64xf32, #tpu.memory_space<vmem>>, vector<128x64xf32>
    %dot_general3A_49 = arith.constant dense<0.000000e+00> : vector<4096x64xf32>
    %dot_general3A_50 = tpu.matmul %mul3A_45, %get3A_48, %dot_general3A_49 {dimension_numbers = #tpu.dot_dimension_numbers<[1], [0], [0], [1], [0, 0, 1, 1], [], []>, transpose_lhs_hint = false} : vector<4096x128xf32>, vector<128x64xf32>, vector<4096x64xf32> -> vector<4096x64xf32>
    %get3A_51 = arith.constant 0 : index
    %get3A_52 = arith.constant 0 : index
    %get3A_53 = vector.load %arg7[%get3A_51, %get3A_52] : memref<1x64xf32, #tpu.memory_space<vmem>>, vector<1x64xf32>
    %add3A_54 = vector.broadcast %get3A_53 : vector<1x64xf32> to vector<4096x64xf32>
    %add3A_55 = arith.addf %dot_general3A_50, %add3A_54 : vector<4096x64xf32>
    %get3A_56 = arith.constant 0 : index
    %get3A_57 = arith.constant 0 : index
    %get3A_58 = vector.load %arg8[%get3A_56, %get3A_57] : memref<64x512xf32, #tpu.memory_space<vmem>>, vector<64x512xf32>
    %mul3A_59 = arith.mulf %get3A_58, %get3A_58 : vector<64x512xf32>
    %reduce_sum3A_60 = arith.constant dense<0.000000e+00> : vector<512xf32>
    %reduce_sum3A_61 = vector.multi_reduction <add>, %mul3A_59, %reduce_sum3A_60 [0] : vector<64x512xf32> to vector<512xf32>
    %broadcast_in_dim3A_62 = vector.shape_cast %reduce_sum3A_61 : vector<512xf32> to vector<1x512xf32>
    %dot_general3A_63 = arith.constant dense<0.000000e+00> : vector<4096x512xf32>
    %dot_general3A_64 = tpu.matmul %add3A_55, %get3A_58, %dot_general3A_63 {dimension_numbers = #tpu.dot_dimension_numbers<[1], [0], [0], [1], [0, 0, 1, 1], [], []>, transpose_lhs_hint = false} : vector<4096x64xf32>, vector<64x512xf32>, vector<4096x512xf32> -> vector<4096x512xf32>
    %mul3A_65 = arith.constant 2.000000e+00 : f32
    %mul3A_66 = vector.broadcast %mul3A_65 : f32 to vector<4096x512xf32>
    %mul3A_67 = arith.mulf %mul3A_66, %dot_general3A_64 : vector<4096x512xf32>
    %sub3A_68 = vector.broadcast %broadcast_in_dim3A_62 : vector<1x512xf32> to vector<4096x512xf32>
    %sub3A_69 = arith.subf %sub3A_68, %mul3A_67 : vector<4096x512xf32>
    %reduce_min3A = arith.constant dense<0x7F800000> : vector<4096xf32>
    %reduce_min3A_70 = vector.multi_reduction <minimumf>, %sub3A_69, %reduce_min3A [1] : vector<4096x512xf32> to vector<4096xf32>
    %broadcast_in_dim3A_71 = vector.shape_cast %reduce_min3A_70 : vector<4096xf32> to vector<4096x1xf32>
    %eq3A = vector.broadcast %broadcast_in_dim3A_71 : vector<4096x1xf32> to vector<4096x512xf32>
    %eq3A_72 = arith.cmpf oeq, %sub3A_69, %eq3A : vector<4096x512xf32>
    %convert_element_type3A = arith.extui %eq3A_72 : vector<4096x512xi1> to vector<4096x512xi32>
    %convert_element_type3A_73 = arith.sitofp %convert_element_type3A : vector<4096x512xi32> to vector<4096x512xf32>
    %iota3A = tpu.iota {dimensions = array<i32: 1>} : vector<4096x512xi32>
    %jit3A = arith.constant 512 : i32
    %broadcast_in_dim3A_74 = vector.broadcast %jit3A : i32 to vector<4096x512xi32>
    %select_n3A = arith.select %eq3A_72, %iota3A, %broadcast_in_dim3A_74 : vector<4096x512xi1>, vector<4096x512xi32>
    %reduce_min3A_75 = arith.constant dense<2147483647> : vector<4096xi32>
    %reduce_min3A_76 = vector.multi_reduction <minsi>, %select_n3A, %reduce_min3A_75 [1] : vector<4096x512xi32> to vector<4096xi32>
    %broadcast_in_dim3A_77 = vector.shape_cast %reduce_min3A_76 : vector<4096xi32> to vector<4096x1xi32>
    %swap3A = arith.constant 0 : index
    %swap3A_78 = arith.constant 0 : index
    %swap3A_79 = vector.load %arg9[%swap3A, %swap3A_78] : memref<4096x1xi32, #tpu.memory_space<vmem>>, vector<4096x1xi32>
    tpu.vector_store %arg9[%swap3A, %swap3A_78], %broadcast_in_dim3A_77 {strides = array<i32>} : memref<4096x1xi32, #tpu.memory_space<vmem>>, vector<4096x1xi32>,
    %broadcast_in_dim3A_80 = arith.constant 1.000000e+00 : f32
    %broadcast_in_dim3A_81 = vector.broadcast %broadcast_in_dim3A_80 : f32 to vector<1x4096xf32>
    %dot_general3A_82 = arith.constant dense<0.000000e+00> : vector<1x512xf32>
    %dot_general3A_83 = tpu.matmul %broadcast_in_dim3A_81, %convert_element_type3A_73, %dot_general3A_82 {dimension_numbers = #tpu.dot_dimension_numbers<[1], [0], [0], [1], [0, 0, 1, 1], [], []>, transpose_lhs_hint = false} : vector<1x4096xf32>, vector<4096x512xf32>, vector<1x512xf32> -> vector<1x512xf32>
    %mul3A_84 = arith.mulf %add3A_55, %add3A_55 : vector<4096x64xf32>
    %broadcast_in_dim3A_85 = arith.constant 1.000000e+00 : f32
    %broadcast_in_dim3A_86 = vector.broadcast %broadcast_in_dim3A_85 : f32 to vector<64x1xf32>
    %dot_general3A_87 = arith.constant dense<0.000000e+00> : vector<4096x1xf32>
    %dot_general3A_88 = tpu.matmul %mul3A_84, %broadcast_in_dim3A_86, %dot_general3A_87 {dimension_numbers = #tpu.dot_dimension_numbers<[1], [0], [0], [1], [0, 0, 1, 1], [], []>, transpose_lhs_hint = false} : vector<4096x64xf32>, vector<64x1xf32>, vector<4096x1xf32> -> vector<4096x1xf32>
    %add3A_89 = arith.addf %broadcast_in_dim3A_71, %dot_general3A_88 : vector<4096x1xf32>
    %dot_general3A_90 = arith.constant dense<0.000000e+00> : vector<1x1xf32>
    %dot_general3A_91 = tpu.matmul %broadcast_in_dim3A_81, %add3A_89, %dot_general3A_90 {dimension_numbers = #tpu.dot_dimension_numbers<[1], [0], [0], [1], [0, 0, 1, 1], [], []>, transpose_lhs_hint = false} : vector<1x4096xf32>, vector<4096x1xf32>, vector<1x1xf32> -> vector<1x1xf32>
    %eq3A_92 = arith.constant 0 : i32
    %eq3A_93 = arith.cmpi eq, %arg0, %eq3A_92 : i32
    %convert_element_type3A_94 = arith.extui %eq3A_93 : i1 to i32
    %cond3A = arith.constant 0 : i32
    %cond3A_95 = arith.cmpi ne, %convert_element_type3A_94, %cond3A : i32
    scf.if %cond3A_95 {
      %swap3A_110 = arith.constant 0.000000e+00 : f32
      %swap3A_111 = arith.constant 0 : index
      %swap3A_112 = arith.constant 0 : index
      %swap3A_113 = memref.load %arg10[%swap3A_111, %swap3A_112] : memref<1x1xf32, #tpu.memory_space<smem>>
      memref.store %swap3A_110, %arg10[%swap3A_111, %swap3A_112] : memref<1x1xf32, #tpu.memory_space<smem>>
      %broadcast_in_dim3A_114 = arith.constant 0.000000e+00 : f32
      %broadcast_in_dim3A_115 = vector.broadcast %broadcast_in_dim3A_114 : f32 to vector<1x512xf32>
      %swap3A_116 = arith.constant 0 : index
      %swap3A_117 = arith.constant 0 : index
      %swap3A_118 = vector.load %arg11[%swap3A_116, %swap3A_117] : memref<1x512xf32, #tpu.memory_space<vmem>>, vector<1x512xf32>
      tpu.vector_store %arg11[%swap3A_116, %swap3A_117], %broadcast_in_dim3A_115 {strides = array<i32>} : memref<1x512xf32, #tpu.memory_space<vmem>>, vector<1x512xf32>,
    } else {
    }
    %get3A_96 = arith.constant 0 : index
    %get3A_97 = arith.constant 0 : index
    %get3A_98 = memref.load %arg10[%get3A_96, %get3A_97] : memref<1x1xf32, #tpu.memory_space<smem>>
    %squeeze3A = vector.extract %dot_general3A_91[0, 0] : f32 from vector<1x1xf32>
    %add3A_99 = arith.addf %get3A_98, %squeeze3A : f32
    %swap3A_100 = arith.constant 0 : index
    %swap3A_101 = arith.constant 0 : index
    %swap3A_102 = memref.load %arg10[%swap3A_100, %swap3A_101] : memref<1x1xf32, #tpu.memory_space<smem>>
    memref.store %add3A_99, %arg10[%swap3A_100, %swap3A_101] : memref<1x1xf32, #tpu.memory_space<smem>>
    %get3A_103 = arith.constant 0 : index
    %get3A_104 = arith.constant 0 : index
    %get3A_105 = vector.load %arg11[%get3A_103, %get3A_104] : memref<1x512xf32, #tpu.memory_space<vmem>>, vector<1x512xf32>
    %add3A_106 = arith.addf %get3A_105, %dot_general3A_83 : vector<1x512xf32>
    %swap3A_107 = arith.constant 0 : index
    %swap3A_108 = arith.constant 0 : index
    %swap3A_109 = vector.load %arg11[%swap3A_107, %swap3A_108] : memref<1x512xf32, #tpu.memory_space<vmem>>, vector<1x512xf32>
    tpu.vector_store %arg11[%swap3A_107, %swap3A_108], %add3A_106 {strides = array<i32>} : memref<1x512xf32, #tpu.memory_space<vmem>>, vector<1x512xf32>,
    return
  }
  func.func @transform_0(%arg0: i32) -> (i32, i32) {
    %c0_i32 = arith.constant 0 : i32
    %c0_i32_0 = arith.constant 0 : i32
    return %arg0, %c0_i32 : i32, i32
  }
  func.func @transform_1(%arg0: i32) -> (i32, i32) {
    %c0_i32 = arith.constant 0 : i32
    %c0_i32_0 = arith.constant 0 : i32
    %c0_i32_1 = arith.constant 0 : i32
    return %c0_i32, %c0_i32_0 : i32, i32
  }
  func.func @transform_2(%arg0: i32) -> (i32, i32) {
    %c0_i32 = arith.constant 0 : i32
    %c0_i32_0 = arith.constant 0 : i32
    %c0_i32_1 = arith.constant 0 : i32
    return %c0_i32, %c0_i32_0 : i32, i32
  }
  func.func @transform_3(%arg0: i32) -> (i32, i32) {
    %c0_i32 = arith.constant 0 : i32
    %c0_i32_0 = arith.constant 0 : i32
    %c0_i32_1 = arith.constant 0 : i32
    return %c0_i32, %c0_i32_0 : i32, i32
  }
  func.func @transform_4(%arg0: i32) -> (i32, i32) {
    %c0_i32 = arith.constant 0 : i32
    %c0_i32_0 = arith.constant 0 : i32
    %c0_i32_1 = arith.constant 0 : i32
    return %c0_i32, %c0_i32_0 : i32, i32
  }
  func.func @transform_5(%arg0: i32) -> (i32, i32) {
    %c0_i32 = arith.constant 0 : i32
    %c0_i32_0 = arith.constant 0 : i32
    %c0_i32_1 = arith.constant 0 : i32
    return %c0_i32, %c0_i32_0 : i32, i32
  }
  func.func @transform_6(%arg0: i32) -> (i32, i32) {
    %c0_i32 = arith.constant 0 : i32
    %c0_i32_0 = arith.constant 0 : i32
    %c0_i32_1 = arith.constant 0 : i32
    return %c0_i32, %c0_i32_0 : i32, i32
  }
  func.func @transform_7(%arg0: i32) -> (i32, i32) {
    %c0_i32 = arith.constant 0 : i32
    %c0_i32_0 = arith.constant 0 : i32
    %c0_i32_1 = arith.constant 0 : i32
    return %c0_i32, %c0_i32_0 : i32, i32
  }
  func.func @transform_8(%arg0: i32) -> (i32, i32) {
    %c0_i32 = arith.constant 0 : i32
    %c0_i32_0 = arith.constant 0 : i32
    return %arg0, %c0_i32 : i32, i32
  }
  func.func @transform_9(%arg0: i32) -> (i32, i32) {
    %c0_i32 = arith.constant 0 : i32
    %c0_i32_0 = arith.constant 0 : i32
    %c0_i32_1 = arith.constant 0 : i32
    return %c0_i32, %c0_i32_0 : i32, i32
  }
  func.func @transform_10(%arg0: i32) -> (i32, i32) {
    %c0_i32 = arith.constant 0 : i32
    %c0_i32_0 = arith.constant 0 : i32
    %c0_i32_1 = arith.constant 0 : i32
    return %c0_i32, %c0_i32_0 : i32, i32
  }
}

</mosaic_0001>

<sc_bundles>
// kernel: kernel.5.cloned.1.call-start
scs
__scs_entry_jumppad:
0x0: {  	(pc) =	sbr.rel $0x88, $3  }
0x1: {  	(tag) =	ssettag $0x0;
	lr =	simm.s32 $0x1  }
0x2: {  	[smem:$0x3F93] =	sst lr;
	_ =	strace $0xD0000000  }
0x3: {  	_ = 	snop  }
0x4: {  	_ = 	snop  }
0x5: {  	_ = 	snop  }
0x6: {  	_ = 	snop  }
0x7: {  	_ = 	snop  }
__scs_overlays_trampoline_lowered:
0x8: {  	[smem:$0x3FA2] =	sst s0  }
0x9: {  	[smem:$0x3FA3] =	sst s1  }
0xa: {  	[smem:$0x3FA4] =	sst s2  }
0xb: {  	[smem:$0x3FA5] =	sst s3  }
0xc: {  	[smem:$0x3FA6] =	sst s4  }
0xd: {  	[smem:$0x3FA7] =	sst s5  }
0xe: {  	[smem:$0x3FA8] =	sst s6  }
0xf: {  	[smem:$0x3FA9] =	sst s7  }
0x10: {  	[smem:$0x3FAA] =	sst s8  }
0x11: {  	[smem:$0x3FAB] =	sst s9;
	s0 =	simm.s32 @!p0 $0x0  }
0x12: {  	s1 =	sld [smem:$0x3F91];
	s0 =	simm.s32 @p0 $0x1  }
0x13: {  	[smem:$0x3FAC] =	sst s0;
	s0 =	simm.s32 @!p1 $0x0  }
0x14: {  	s2 =	sld [smem:$0x3F90];
	s0 =	simm.s32 @p1 $0x1  }
0x15: {  	[smem:$0x3FAD] =	sst s0;
	s0 =	simm.s32 @!p2 $0x0  }
0x16: {  	s3 =	sld [smem:$0x3FDB];
	s0 =	simm.s32 @p2 $0x1  }
0x17: {  	s4 =	simm.s32 $0x1BF5;
	[smem:$0x3FAF] =	sst s0  }
0x18: {  	s0 =	sld [smem:$0x3F92];
	_ =	swait.ge [sflag:s4], $0x0  }
0x19: {  	s7 =	sld [smem:$0x3F93]  }
0x1a: {  	s8 =	sadd.s32 $0xFFFFE003, lr  }
0x1b: {  	s9 =	sadd.s32 $0xFFFFFEF7, lr;
	s5 =	simm.s32 $0xFFFFFFFF;
	p2 =	slt.u32 s8, $0xFFFFF086  }
0x1c: {  	p1 =	slt.u32 s9, $0xF7A;
	s5 =	simm.s32 @!p2 $0x0  }
0x1d: {  	s5 =	simm.s32 @p1 $0x1;
	p0 =	seq.s32 s7, s2  }
0x1e: {  	s7 =	smul.u32 @!p0 $0xF7A, s2;
	p2 =	seq.s32 @!p0 s5, $0x0  }
0x1f: {  	s9 =	smul.u32 $0xF7A, s1;
	s8 =	simm.s32 @!p0 $0x1BF5;
	p2 =	por !p2, p0  }
0x20: {  	[sflag:s8] =	ssyncset.s32 @!p0 $0xFFFFF086;
	s6 =	sadd.s32 @!p0 s3, s7;
	s7 =	simm.s32 @!p0 $0x108  }
0x21: {  	s3 =	sadd.s32 s3, s9;
	s6 =	sadd.s32 @!p0 $0x88, s6;
	s7 =	simm.s32 @p2 $0x1082  }
0x22: {  	[simem:s7], [sflag:s8] =	dma.local @!p0 [hbm:s6], $0xF7A  }
0x23: {  	s9 =	sor.u32 $0xD0000000, s2;
	s6 =	simm.s32 $0x108;
	_ =	swait.ge @!p0 [sflag:s8], $0x0  }
0x24: {  	s3 =	sadd.s32 $0x88, s3;
	s6 =	simm.s32 @!p1 $0x1082;
	[sflag:s4] =	ssyncset.s32 $0xFFFFF086  }
0x25: {  	[simem:s6], [sflag:s4] =	dma.local [hbm:s3], $0xF7A  }
0x26: {  	[smem:$0x3F93] =	sst s1;
	(tag) =	ssettag s2;
	_ =	strace s9  }
0x27: {  	s1 =	sld [smem:$0x3FA3]  }
0x28: {  	s2 =	sld [smem:$0x3FA4]  }
0x29: {  	s4 =	sld [smem:$0x3FA6]  }
0x2a: {  	p0 =	seq.s32 s5, $0x0;
	s5 =	sld [smem:$0x3FA7]  }
0x2b: {  	s6 =	sld [smem:$0x3FA8]  }
0x2c: {  	s7 =	sld [smem:$0x3FA9]  }
0x2d: {  	s3 =	simm.s32 $0x108;
	s8 =	sld [smem:$0x3FAA]  }
0x2e: {  	s3 =	simm.s32 @!p0 $0x1082;
	s9 =	sld [smem:$0x3FAB]  }
0x2f: {  	lr =	sadd.s32 s0, s3;
	s0 =	sld [smem:$0x3FA2]  }
0x30: {  	s3 =	sld [smem:$0x3FA5]  }
0x31: {  	[smem:$0x3FAE] =	sst s10  }
0x32: {  	s10 =	sld [smem:$0x3FAC];
	_ =	sdelay $0x3  }
0x33: {  	p0 =	seq.s32 s10, $0x1;
	s10 =	sld [smem:$0x3FAE];
	_ =	sdelay $0x3  }
0x34: {  	[smem:$0x3FAE] =	sst s10  }
0x35: {  	s10 =	sld [smem:$0x3FAD];
	_ =	sdelay $0x3  }
0x36: {  	p1 =	seq.s32 s10, $0x1;
	s10 =	sld [smem:$0x3FAE];
	_ =	sdelay $0x3  }
0x37: {  	[smem:$0x3FAE] =	sst s10  }
0x38: {  	s10 =	sld [smem:$0x3FAF]  }
0x39: {  	_ = 	snop;
	(pc) =	sbr.ind lr, $3  }
0x3a: {  	_ = 	snop  }
0x3b: {  	_ = 	snop  }
0x3c: {  	p2 =	seq.s32 s10, $0x1;
	s10 =	sld [smem:$0x3FAE]  }
0x3d: {  	_ =	shalt  }
0x3e: {  	_ =	shalt  }
0x3f: {  	_ =	shalt  }
0x40: {  	_ =	shalt  }
0x41: {  	_ =	shalt  }
0x42: {  	_ =	shalt  }
0x43: {  	_ =	shalt  }
0x44: {  	_ =	shalt  }
0x45: {  	_ =	shalt  }
0x46: {  	_ =	shalt  }
0x47: {  	_ =	shalt  }
0x48: {  	_ =	shalt  }
0x49: {  	_ =	shalt  }
0x4a: {  	_ =	shalt  }
0x4b: {  	_ =	shalt  }
0x4c: {  	_ =	shalt  }
0x4d: {  	_ =	shalt  }
0x4e: {  	_ =	shalt  }
0x4f: {  	_ =	shalt  }
0x50: {  	_ =	shalt  }
0x51: {  	_ =	shalt  }
0x52: {  	_ =	shalt  }
0x53: {  	_ =	shalt  }
0x54: {  	_ =	shalt  }
0x55: {  	_ =	shalt  }
0x56: {  	_ =	shalt  }
0x57: {  	_ =	shalt  }
0x58: {  	_ =	shalt  }
0x59: {  	_ =	shalt  }
0x5a: {  	_ =	shalt  }
0x5b: {  	_ =	shalt  }
0x5c: {  	_ =	shalt  }
0x5d: {  	_ =	shalt  }
0x5e: {  	_ =	shalt  }
0x5f: {  	_ =	shalt  }
0x60: {  	_ =	shalt  }
0x61: {  	_ =	shalt  }
0x62: {  	_ =	shalt  }
0x63: {  	_ =	shalt  }
0x64: {  	_ =	shalt  }
0x65: {  	_ =	shalt  }
0x66: {  	_ =	shalt  }
0x67: {  	_ =	shalt  }
0x68: {  	_ =	shalt  }
0x69: {  	_ =	shalt  }
0x6a: {  	_ =	shalt  }
0x6b: {  	_ =	shalt  }
0x6c: {  	_ =	shalt  }
0x6d: {  	_ =	shalt  }
0x6e: {  	_ =	shalt  }
0x6f: {  	_ =	shalt  }
0x70: {  	_ =	shalt  }
0x71: {  	_ =	shalt  }
0x72: {  	_ =	shalt  }
0x73: {  	_ =	shalt  }
0x74: {  	_ =	shalt  }
0x75: {  	_ =	shalt  }
0x76: {  	_ =	shalt  }
0x77: {  	_ =	shalt  }
0x78: {  	_ =	shalt  }
0x79: {  	_ =	shalt  }
0x7a: {  	_ =	shalt  }
0x7b: {  	_ =	shalt  }
0x7c: {  	_ =	shalt  }
0x7d: {  	_ =	shalt  }
0x7e: {  	_ =	shalt  }
0x7f: {  	_ =	shalt  }
0x80: {  	_ =	shalt  }
0x81: {  	_ =	shalt  }
0x82: {  	_ =	shalt  }
0x83: {  	_ =	shalt  }
0x84: {  	_ =	shalt  }
0x85: {  	_ =	shalt  }
0x86: {  	_ =	shalt  }
0x87: {  	_ =	shalt  }
.Lfunc_end0:
.L_simem_size_0:
called_computation_lowered:
.L_overlay_start_0:
0x88: {  	s2 =	sld [smem:$0x3FD9]  }
0x89: {  	s3 =	sld [smem:$0x3FFE];
	_ =	sdelay $0x1  }
0x8a: {  	s1 =	srdreg.scid  }
0x8b: {  	s0 =	sand.u32 $0x1, s1  }
0x8c: {  	s14 =	sshll.u32 s0, $0xA;
	s2 =	sadd.s32 s3, s2  }
0x8d: {  	s2 =	sadd.s32 s2, s14  }
0x8e: {  	[smem:$0x3FBA] =	sst s2  }
0x8f: {  	_ = 	snop  }
0x90: {  	s2 =	sld [smem:$0x3FD0];
	_ =	sdelay $0x2  }
0x91: {  	s15 =	simm.s32 $0xA;
	s4 =	simm.s32 $0x10  }
0x92: {  	[smem:s4], [sflag:s15] =	dma.local [hbm:s2], $0x1  }
0x93: {  	_ =	swait.eq [sflag:s15], $0x1  }
0x94: {  	[sflag:s15] =	ssyncset.done $0x0  }
0x95: {  	[sflag:s15] =	ssyncadd.s32 $0xFFFFFFFF  }
0x96: {  	s16 =	sld [smem:$0x10];
	(tm) =	ssettm $0x1  }
0x97: {  	s17 =	sld [smem:$0x3FFB];
	_ =	sdelay $0x3  }
0x98: {  	_ =	strace s17  }
0x99: {  	s3 =	sld [smem:$0x3FFC];
	_ =	sdelay $0x3  }
0x9a: {  	_ =	strace s3  }
0x9b: {  	s3 =	sld [smem:$0x3FFD];
	_ =	sdelay $0x3  }
0x9c: {  	_ =	strace s3  }
0x9d: {  	_ =	strace $0x8FFFFFFF  }
0x9e: {  	s18 =	sld [smem:$0x3FDB];
	_ =	sdelay $0x1  }
0x9f: {  	s19 =	simm.s32 $_scs_section_size  }
0xa0: {  	s5 =	simm.s32 $_size__tile_overlayer_lowered;
	s6 =	simm.s32 $_tile_overlayer_lowered  }
0xa1: {  	s22 =	simm.s32 $0x1BFF;
	s21 =	sshll.u32 s6, $0x1;
	s3 =	sadd.s32 s19, s18  }
0xa2: {  	s7 =	simm.s32 $0x0;
	s20 =	sshll.u32 s5, $0x1;
	s5 =	sadd.s32 s21, s3  }
0xa3: {  	[timem:s7], [sflag:s22] =	dma.local [hbm:s5], s20  }
0xa4: {  	_ =	swait.ge [sflag:s22], s20  }
0xa5: {  	s4 =	ssub.s32 $0x0, s20;
	[sflag:s22] =	ssyncset.done $0x0  }
0xa6: {  	[sflag:s22] =	ssyncadd.s32 s4;
	_ =	sdelay $0x1  }
0xa7: {  	s23 =	simm.s32 $0x1B8B  }
0xa8: {  	_ =	swait.ge [sflag:s23], $0x1  }
0xa9: {  	[sflag:s23] =	ssyncset.done $0x0  }
0xaa: {  	s25 =	simm.s32 $0x1B8E;
	s24 =	sld [smem:$0x3FFE];
	[sflag:s23] =	ssyncadd.s32 $0xFFFFFFFF  }
0xab: {  	s26 =	simm.s32 $execute0_lowered;
	[smem:$0x3FD2] =	sst s25  }
0xac: {  	s5 =	sshll.u32 s26, $0x1;
	_ =	strace $0x80000046;
	[dreg:$0x1] =	wrdreg $0xFFFFFFFF  }
0xad: {  	s28 =	simm.s32 $_size_execute0_lowered;
	s3 =	sadd.s32 s3, s5;
	[dreg:$0x0] =	wrdreg $0x0  }
0xae: {  	s5 =	sshll.u32 s28, $0x1;
	[dreg:$0x2] =	wrdreg s3  }
0xaf: {  	[dreg:$0x3] =	wrdreg s5  }
0xb0: {  	[dreg:$0x4] =	wrdreg $0xC0  }
0xb1: {  	_ =	task [dreg:s7], $0x5FFFF  }
0xb2: {  	[dreg:$0x1] =	wrdreg $0xFFFFFFFF  }
0xb3: {  	[dreg:$0x0] =	wrdreg $0x60  }
0xb4: {  	[dreg:$0x2] =	wrdreg s24  }
0xb5: {  	[dreg:$0x3] =	wrdreg s16  }
0xb6: {  	[dreg:$0x4] =	wrdreg $0x9  }
0xb7: {  	_ =	task.clear_ibuf [dreg:s7], $0x5FFFF;
	_ =	strace $0x90000046  }
0xb8: {  	s29 =	simm.s32 $0x9;
	_ =	strace $0x80000048  }
0xb9: {  	_ =	swait.ge [sflag:s29], $0x1  }
0xba: {  	[sflag:s29] =	ssyncadd.s32 $0xFFFFFFFF  }
0xbb: {  	_ =	strace $0x90000048  }
0xbc: {  	_ =	sfence  }
0xbd: {  	s30 =	sld [smem:$0x0];
	_ =	sdelay $0x2  }
0xbe: {  	s31 =	sshll.u32 s1, $0xD;
	s1 =	sshrl.u32 s1, $0x2  }
0xbf: {  	s3 =	sand.u32 $0x4000, s31;
	s1 =	sadd.s32 s1, s30  }
0xc0: {  	s0 =	sor.u32 s3, s0;
	s1 =	sshll.u32 s1, $0x11  }
0xc1: {  	s0 =	sor.u32 s1, s0  }
0xc2: {  	s0 =	sadd.s32 $0x8F2B, s0  }
0xc3: {  	[sflag:s0] =	ssyncadd.remote.s32 $0x1  }
0xc4: {  	_ =	sfence.sel $0xFFFF  }
0xc5: {  	[dreg:$0x0] =	wrdreg $0xFFFFFFFF;
	(pc) =	sbr.abs _section_cstart, $3  }
0xc6: {  	[dreg:$0x1] =	wrdreg $0xFFFFFFFF  }
0xc7: {  	_ =	task.clear_ibuf [dreg:s7], $0x2FFFF;
	_ =	strace $0x9FFFFFFF  }
0xc8: {  	(tm) =	ssettm $0x7FFFFFFF  }
0xc9: {  	_ =	shalt  }
tec
execute0_lowered:
.L_overlay_start_1:
0x0: {  	(tag) =	ssettag $0x1  }
0x1: {  	s4 =	rddreg [dreg:$0x0]  }
0x2: {  	s5 =	rddreg [dreg:$0x1]  }
0x3: {  	s0 =	rddreg [dreg:$0x2];
	s2 =	simm.s32 $0x0;
	v0 =	vlaneseq.u32  }
0x4: {  	s3 =	srdreg.scid;
	s1 =	stileid.u32;
	s10 =	simm.s32 $0x0;
	v0 =	vmul.u32 $0x10, v0  }
0x5: {  	[smem:$0x7FF] =	sst s2;
	s6 =	sand.u32 $0x1, s3;
	s7 =	sshll.u32 s1, $0x1  }
0x6: {  	s3 =	sadd.s32 $0x1E00, s4;
	s7 =	sor.u32 s6, s7;
	s6 =	ssub.s32 $0x2, s6;
	v1 =	vor.u32 $0x1, v0;
	v2 =	vor.u32 $0x2, v0;
	v3 =	vor.u32 $0x3, v0  }
0x7: {  	_ =	strace $0x80000047;
	s8 =	sshll.u32 s7, $0xC;
	s9 =	sshrl.u32 s6, $0x1;
	v4 =	vor.u32 $0x4, v0;
	v5 =	vor.u32 $0x5, v0;
	v6 =	vor.u32 $0x6, v0  }
0x8: {  	s7 =	sshll.u32 s7, $0x8;
	v7 =	vor.u32 $0x7, v0;
	v8 =	vor.u32 $0x8, v0;
	v9 =	vor.u32 $0x9, v0;
	s8 =	sadd.s32 s8, s4;
	s6 =	ssub.s32 s6, s9  }
0x9: {  	v10 =	vor.u32 $0xA, v0;
	v11 =	vor.u32 $0xB, v0;
	v12 =	vor.u32 $0xC, v0;
	s4 =	sadd.s32 s5, s7;
	s7 =	simm.s32 $0x800;
	s9 =	simm.s32 $0x2800  }
0xa: {  	v13 =	vor.u32 $0xD, v0;
	v14 =	vor.u32 $0xE, v0;
	v15 =	vor.u32 $0xF, v0;
	s5 =	sadd.s32 $0x2200, s8;
	s6 =	smax.u32 s6, $0x1;
	s8 =	simm.s32 $0x1  }
.LBB2_1:
0xb: {  	[tilespmem:s7], [sflag:$0x1] =	stream.linear.gather [hbm4b:s3+s2], $0x2000, $0x38;
	[tilespmem:$0xA800] =	vst v63  }
0xc: {  	_ =	swait.ge [sflag:s8], $0x2000  }
0xd: {  	[sflag:s8] =	ssyncset.done $0x0  }
0xe: {  	[sflag:s8] =	ssyncadd.s32 $0xFFFFE000  }
0xf: {  	[tilespmem:s2], [sflag:$0x1] =	stream.linear.gather [hbm4b:s4+s2], $0x800, $0x38;
	[tilespmem:$0xA800] =	vst v63  }
0x10: {  	_ =	swait.ge [sflag:s8], $0x800  }
0x11: {  	[sflag:s8] =	ssyncset.done $0x0  }
0x12: {  	[sflag:s8] =	ssyncadd.s32 $0xFFFFF800  }
0x13: {  	v16 =	vld [tilespmem:s2+$0x0];
	_ =	sdelay $0x4  }
0x14: {  	v16 =	vshll.u32 v16, $0x4;
	_ =	sdelay $0x4  }
0x15: {  	v18 =	vor.u32 s2, v0;
	v17 =	vld.idx.msk [tilespmem:v16+s7+$0x0], $0xffff  }
0x16: {  	v19 =	vor.u32 $0x1, v16;
	_ =	sdelay $0x3  }
0x17: {  	[tilespmem:v18+s9+$0x0] =	vst.idx.msk $0xffff, v17  }
0x18: {  	v18 =	vor.u32 s2, v1;
	v17 =	vld.idx.msk [tilespmem:v19+s7+$0x0], $0xffff  }
0x19: {  	v19 =	vor.u32 $0x2, v16;
	_ =	sdelay $0x3  }
0x1a: {  	[tilespmem:v18+s9+$0x0] =	vst.idx.msk $0xffff, v17  }
0x1b: {  	v18 =	vor.u32 s2, v2;
	v17 =	vld.idx.msk [tilespmem:v19+s7+$0x0], $0xffff  }
0x1c: {  	v19 =	vor.u32 $0x3, v16;
	_ =	sdelay $0x3  }
0x1d: {  	[tilespmem:v18+s9+$0x0] =	vst.idx.msk $0xffff, v17  }
0x1e: {  	v18 =	vor.u32 s2, v3;
	v17 =	vld.idx.msk [tilespmem:v19+s7+$0x0], $0xffff  }
0x1f: {  	v19 =	vor.u32 $0x4, v16;
	_ =	sdelay $0x3  }
0x20: {  	[tilespmem:v18+s9+$0x0] =	vst.idx.msk $0xffff, v17  }
0x21: {  	v18 =	vor.u32 s2, v4;
	v17 =	vld.idx.msk [tilespmem:v19+s7+$0x0], $0xffff  }
0x22: {  	v19 =	vor.u32 $0x5, v16;
	_ =	sdelay $0x3  }
0x23: {  	[tilespmem:v18+s9+$0x0] =	vst.idx.msk $0xffff, v17  }
0x24: {  	v18 =	vor.u32 s2, v5;
	v17 =	vld.idx.msk [tilespmem:v19+s7+$0x0], $0xffff  }
0x25: {  	v19 =	vor.u32 $0x6, v16;
	_ =	sdelay $0x3  }
0x26: {  	[tilespmem:v18+s9+$0x0] =	vst.idx.msk $0xffff, v17  }
0x27: {  	v18 =	vor.u32 s2, v6;
	v17 =	vld.idx.msk [tilespmem:v19+s7+$0x0], $0xffff  }
0x28: {  	v19 =	vor.u32 $0x7, v16;
	_ =	sdelay $0x3  }
0x29: {  	[tilespmem:v18+s9+$0x0] =	vst.idx.msk $0xffff, v17  }
0x2a: {  	v18 =	vor.u32 s2, v7;
	v17 =	vld.idx.msk [tilespmem:v19+s7+$0x0], $0xffff  }
0x2b: {  	v19 =	vor.u32 $0x8, v16;
	_ =	sdelay $0x3  }
0x2c: {  	[tilespmem:v18+s9+$0x0] =	vst.idx.msk $0xffff, v17  }
0x2d: {  	v18 =	vor.u32 s2, v8;
	v17 =	vld.idx.msk [tilespmem:v19+s7+$0x0], $0xffff  }
0x2e: {  	v19 =	vor.u32 $0x9, v16;
	_ =	sdelay $0x3  }
0x2f: {  	[tilespmem:v18+s9+$0x0] =	vst.idx.msk $0xffff, v17  }
0x30: {  	v18 =	vor.u32 s2, v9;
	v17 =	vld.idx.msk [tilespmem:v19+s7+$0x0], $0xffff  }
0x31: {  	v19 =	vor.u32 $0xA, v16;
	_ =	sdelay $0x3  }
0x32: {  	[tilespmem:v18+s9+$0x0] =	vst.idx.msk $0xffff, v17  }
0x33: {  	v18 =	vor.u32 s2, v10;
	v17 =	vld.idx.msk [tilespmem:v19+s7+$0x0], $0xffff  }
0x34: {  	v19 =	vor.u32 $0xB, v16;
	_ =	sdelay $0x3  }
0x35: {  	[tilespmem:v18+s9+$0x0] =	vst.idx.msk $0xffff, v17  }
0x36: {  	v18 =	vor.u32 s2, v11;
	v17 =	vld.idx.msk [tilespmem:v19+s7+$0x0], $0xffff  }
0x37: {  	v19 =	vor.u32 $0xC, v16;
	_ =	sdelay $0x3  }
0x38: {  	[tilespmem:v18+s9+$0x0] =	vst.idx.msk $0xffff, v17  }
0x39: {  	v18 =	vor.u32 s2, v12;
	v17 =	vld.idx.msk [tilespmem:v19+s7+$0x0], $0xffff  }
0x3a: {  	v19 =	vor.u32 $0xD, v16;
	_ =	sdelay $0x3  }
0x3b: {  	[tilespmem:v18+s9+$0x0] =	vst.idx.msk $0xffff, v17  }
0x3c: {  	v18 =	vor.u32 s2, v13;
	v17 =	vld.idx.msk [tilespmem:v19+s7+$0x0], $0xffff  }
0x3d: {  	v19 =	vor.u32 $0xE, v16;
	_ =	sdelay $0x3  }
0x3e: {  	[tilespmem:v18+s9+$0x0] =	vst.idx.msk $0xffff, v17  }
0x3f: {  	v18 =	vor.u32 s2, v14;
	v17 =	vld.idx.msk [tilespmem:v19+s7+$0x0], $0xffff  }
0x40: {  	v16 =	vor.u32 $0xF, v16;
	_ =	sdelay $0x3  }
0x41: {  	[tilespmem:v18+s9+$0x0] =	vst.idx.msk $0xffff, v17  }
0x42: {  	s11 =	simm.s32 $0x100;
	s12 =	simm.s32 $0x0;
	v17 =	vor.u32 s2, v15;
	v16 =	vld.idx.msk [tilespmem:v16+s7+$0x0], $0xffff  }
.LBB2_2:
0x43: {  	_ =	sdelay $0x2  }
0x44: {  	p0 =	sne.s32 s11, $0x7F00  }
0x45: {  	s12 =	sadd.s32 $0x10, s12;
	s13 =	smov.u32 s11;
	s11 =	sadd.s32 $0x100, s11;
	[tilespmem:v17+s9+$0x0] =	vst.idx.msk $0xffff, v16  }
0x46: {  	v16 =	vld [tilespmem:s12+$0x0];
	_ =	sdelay $0x4  }
0x47: {  	v16 =	vshll.u32 v16, $0x4;
	_ =	sdelay $0x4  }
0x48: {  	v17 =	vld.idx.msk [tilespmem:v16+s7+$0x0], $0xffff  }
0x49: {  	v18 =	vor.u32 s13, v0  }
0x4a: {  	v19 =	vor.u32 $0x1, v16;
	_ =	sdelay $0x3  }
0x4b: {  	[tilespmem:v18+s9+$0x0] =	vst.idx.msk $0xffff, v17  }
0x4c: {  	v17 =	vld.idx.msk [tilespmem:v19+s7+$0x0], $0xffff  }
0x4d: {  	v18 =	vor.u32 s13, v1  }
0x4e: {  	v19 =	vor.u32 $0x2, v16;
	_ =	sdelay $0x3  }
0x4f: {  	[tilespmem:v18+s9+$0x0] =	vst.idx.msk $0xffff, v17  }
0x50: {  	v17 =	vld.idx.msk [tilespmem:v19+s7+$0x0], $0xffff  }
0x51: {  	v18 =	vor.u32 s13, v2  }
0x52: {  	v19 =	vor.u32 $0x3, v16;
	_ =	sdelay $0x3  }
0x53: {  	[tilespmem:v18+s9+$0x0] =	vst.idx.msk $0xffff, v17  }
0x54: {  	v17 =	vld.idx.msk [tilespmem:v19+s7+$0x0], $0xffff  }
0x55: {  	v18 =	vor.u32 s13, v3  }
0x56: {  	v19 =	vor.u32 $0x4, v16;
	_ =	sdelay $0x3  }
0x57: {  	[tilespmem:v18+s9+$0x0] =	vst.idx.msk $0xffff, v17  }
0x58: {  	v17 =	vld.idx.msk [tilespmem:v19+s7+$0x0], $0xffff  }
0x59: {  	v18 =	vor.u32 s13, v4  }
0x5a: {  	v19 =	vor.u32 $0x5, v16;
	_ =	sdelay $0x3  }
0x5b: {  	[tilespmem:v18+s9+$0x0] =	vst.idx.msk $0xffff, v17  }
0x5c: {  	v17 =	vld.idx.msk [tilespmem:v19+s7+$0x0], $0xffff  }
0x5d: {  	v18 =	vor.u32 s13, v5  }
0x5e: {  	v19 =	vor.u32 $0x6, v16;
	_ =	sdelay $0x3  }
0x5f: {  	[tilespmem:v18+s9+$0x0] =	vst.idx.msk $0xffff, v17  }
0x60: {  	v17 =	vld.idx.msk [tilespmem:v19+s7+$0x0], $0xffff  }
0x61: {  	v18 =	vor.u32 s13, v6  }
0x62: {  	v19 =	vor.u32 $0x7, v16;
	_ =	sdelay $0x3  }
0x63: {  	[tilespmem:v18+s9+$0x0] =	vst.idx.msk $0xffff, v17  }
0x64: {  	v17 =	vld.idx.msk [tilespmem:v19+s7+$0x0], $0xffff  }
0x65: {  	v18 =	vor.u32 s13, v7  }
0x66: {  	v19 =	vor.u32 $0x8, v16;
	_ =	sdelay $0x3  }
0x67: {  	[tilespmem:v18+s9+$0x0] =	vst.idx.msk $0xffff, v17  }
0x68: {  	v17 =	vld.idx.msk [tilespmem:v19+s7+$0x0], $0xffff  }
0x69: {  	v18 =	vor.u32 s13, v8  }
0x6a: {  	v19 =	vor.u32 $0x9, v16;
	_ =	sdelay $0x3  }
0x6b: {  	[tilespmem:v18+s9+$0x0] =	vst.idx.msk $0xffff, v17  }
0x6c: {  	v17 =	vld.idx.msk [tilespmem:v19+s7+$0x0], $0xffff  }
0x6d: {  	v18 =	vor.u32 s13, v9  }
0x6e: {  	v19 =	vor.u32 $0xA, v16;
	_ =	sdelay $0x3  }
0x6f: {  	[tilespmem:v18+s9+$0x0] =	vst.idx.msk $0xffff, v17  }
0x70: {  	v17 =	vld.idx.msk [tilespmem:v19+s7+$0x0], $0xffff  }
0x71: {  	v18 =	vor.u32 s13, v10  }
0x72: {  	v19 =	vor.u32 $0xB, v16;
	_ =	sdelay $0x3  }
0x73: {  	[tilespmem:v18+s9+$0x0] =	vst.idx.msk $0xffff, v17  }
0x74: {  	v17 =	vld.idx.msk [tilespmem:v19+s7+$0x0], $0xffff  }
0x75: {  	v18 =	vor.u32 s13, v11  }
0x76: {  	v19 =	vor.u32 $0xC, v16;
	_ =	sdelay $0x3  }
0x77: {  	[tilespmem:v18+s9+$0x0] =	vst.idx.msk $0xffff, v17  }
0x78: {  	v17 =	vld.idx.msk [tilespmem:v19+s7+$0x0], $0xffff  }
0x79: {  	v18 =	vor.u32 s13, v12  }
0x7a: {  	v19 =	vor.u32 $0xD, v16;
	_ =	sdelay $0x3  }
0x7b: {  	[tilespmem:v18+s9+$0x0] =	vst.idx.msk $0xffff, v17  }
0x7c: {  	v17 =	vld.idx.msk [tilespmem:v19+s7+$0x0], $0xffff  }
0x7d: {  	v18 =	vor.u32 s13, v13  }
0x7e: {  	v19 =	vor.u32 $0xE, v16;
	_ =	sdelay $0x3  }
0x7f: {  	[tilespmem:v18+s9+$0x0] =	vst.idx.msk $0xffff, v17  }
0x80: {  	v17 =	vld.idx.msk [tilespmem:v19+s7+$0x0], $0xffff  }
0x81: {  	v18 =	vor.u32 s13, v14  }
0x82: {  	v16 =	vor.u32 $0xF, v16;
	_ =	sdelay $0x1  }
.Ltmp0:
0x83: {  	(pc) =	sbr.rel @p0 .LBB2_2-.Ltmp0, $4  }
0x84: {  	_ = 	snop  }
0x85: {  	[tilespmem:v18+s9+$0x0] =	vst.idx.msk $0xffff, v17  }
0x86: {  	v16 =	vld.idx.msk [tilespmem:v16+s7+$0x0], $0xffff  }
0x87: {  	v17 =	vor.u32 s13, v15  }
0x88: {  	_ =	sdelay $0x1  }
0x89: {  	s10 =	sadd.s32 $0x1, s10  }
0x8a: {  	p0 =	sne.s32 s10, s6  }
.Ltmp1:
0x8b: {  	[tilespmem:v17+s9+$0x0] =	vst.idx.msk $0xffff, v16;
	(pc) =	sbr.rel @p0 .LBB2_1-.Ltmp1, $4  }
0x8c: {  	[hbm4b:s5+s2] =	stream.linear.scatter [tilespmem:s9], [sflag:$0x1], $0x8000, $0x38;
	[tilespmem:$0xA800] =	vst v63  }
0x8d: {  	_ =	swait.ge [sflag:s8], $0x8000  }
0x8e: {  	[sflag:s8] =	ssyncset.done $0x0  }
0x8f: {  	[sflag:s8] =	ssyncadd.s32 $0xFFFF8000  }
0x90: {  	_ =	sfence.sel $0x180000  }
0x91: {  	[bflag:$0x0] =	sbarrier.arrive $0xFFFF  }
0x92: {  	p0 =	sne.s32 s1, $0x0;
	_ =	strace $0x90000047  }
0x93: {  	s0 =	sadd.s32 @!p0 $0x100000, s0;
	[bflag:$0x2] =	sbarrier.arrive $0xFFFF  }
0x94: {  	[sflag:s0] =	ssyncadd.tile.s32 @!p0 $0x1;
	_ =	shalt  }
.Lfunc_end2:
_tile_overlayer_lowered:
.L_overlay_start_2:
0x95: {  	(tag) =	ssettag $0x2  }
0x96: {  	s0 =	rddreg [dreg:$0x0];
	s2 =	stileid.u32  }
0x97: {  	s1 =	rddreg [dreg:$0x1];
	p0 =	sne.s32 s2, $0x0  }
0x98: {  	s3 =	rddreg [dreg:$0x2];
	[bflag:$0x3] =	sbarrier.arrive $0xFFFF;
	s2 =	simm.s32 @!p0 $0x1C01  }
0x99: {  	[timem:s3], [sflag:s2] =	dma.local @!p0 [hbm:s0], s1  }
0x9a: {  	s0 =	simm.s32 @!p0 $0x1  }
0x9b: {  	_ =	swait.ge @!p0 [sflag:s0], s1  }
0x9c: {  	s1 =	ssub.s32 @!p0 $0x0, s1;
	[sflag:s0] =	ssyncset.done @!p0 $0x0  }
0x9d: {  	[sflag:s0] =	ssyncadd.s32 @!p0 s1  }
0x9e: {  	[bflag:$0x3] =	sbarrier.arrive $0xFFFF  }
0x9f: {  	_ =	shalt  }

</sc_bundles>
